<compile_context>
chip_gen: v7x
topology: tpu7x:2x2x1
jax: 0.10.2.dev20260603
libtpu: 0.0.44.dev20260713+nightly
codegen_flags: <defaults>
</compile_context>

<pallas_src>
import jax
import jax.numpy as jnp
from jax import lax
from jax.experimental import pallas as pl
from jax.experimental.pallas import tpu as pltpu
from jax.experimental.pallas import tpu_sc as plsc

_B, _L, _H = 1024, 200, 64
_NC, _NS = 2, 16
_NW = _NC * _NS
_CH = 64
_TOK = _B * _L
_GCH = _TOK // _CH
_NCH = _GCH // _NW


def _emb_body(ids_hbm, tok_hbm, pos_hbm, out_hbm,
              idx_v, pos_sh, buf_v, obuf_v, gsem, osem):
    sid = lax.axis_index("s")
    wid = sid * _NC + lax.axis_index("c")
    base = wid * _NCH
    pltpu.sync_copy(ids_hbm.at[pl.ds(base, _NCH)], idx_v)

    @pl.when(sid == 0)
    def _():
        pltpu.sync_copy(pos_hbm.at[pl.ds(0, _L)], pos_sh.at[pl.ds(0, _L)])
        pltpu.sync_copy(pos_hbm.at[pl.ds(0, _L)], pos_sh.at[pl.ds(_L, _L)])

    plsc.subcore_barrier()

    def prefill_and_gather(c, slot):
        base_p = (c * _CH) % _L
        pltpu.sync_copy(pos_sh.at[pl.ds(base_p, _CH)], buf_v.at[slot])
        pltpu.async_copy(tok_hbm.at[idx_v.at[c]], buf_v.at[slot], gsem, add=True)

    prefill_and_gather(0, 0)

    def chunk_body(c, carry):
        s = c % 2

        @pl.when(c >= 2)
        def _():
            pltpu.make_async_copy(obuf_v.at[s], out_hbm.at[base + c - 2], osem).wait()

        @pl.when(c + 1 < _NCH)
        def _():
            prefill_and_gather(c + 1, 1 - s)

        pltpu.make_async_copy(tok_hbm.at[idx_v.at[c]], buf_v.at[s], gsem).wait()

        def row_body(t, carry2):
            for d in range(_H // 16):
                sl = pl.ds(d * 16, 16)
                obuf_v[s, t, sl] = buf_v[s, t, sl]
            return carry2

        lax.fori_loop(0, _CH, row_body, 0)

        pltpu.async_copy(obuf_v.at[s], out_hbm.at[base + c], osem)
        return carry

    lax.fori_loop(0, _NCH, chunk_body, 0)
    pltpu.make_async_copy(obuf_v.at[_NCH % 2], out_hbm.at[base + _NCH - 2], osem).wait()
    pltpu.make_async_copy(obuf_v.at[(_NCH - 1) % 2], out_hbm.at[base + _NCH - 1], osem).wait()


@jax.jit
def kernel(input_ids, token_table, pos_table):
    ids = input_ids.reshape(_GCH, _CH).astype(jnp.int32)
    out = pl.kernel(
        _emb_body,
        out_type=jax.ShapeDtypeStruct((_GCH, _CH, 2 * _H), jnp.float32),
        mesh=plsc.VectorSubcoreMesh(core_axis_name="c", subcore_axis_name="s"),
        compiler_params=pltpu.CompilerParams(use_tc_tiling_on_sc=False),
        scratch_types=[
            pltpu.VMEM((_NCH, _CH), jnp.int32),
            pltpu.VMEM_SHARED((2 * _L, _H), jnp.float32),
            pltpu.VMEM((2, _CH, _H), jnp.float32),
            pltpu.VMEM((2, _CH, 2 * _H), jnp.float32),
            pltpu.SemaphoreType.DMA,
            pltpu.SemaphoreType.DMA,
        ],
    )(ids, token_table, pos_table)
    return out[:, :, :_H].reshape(_B, _L, _H)

# --- scband reference (transcript-rebuilt; emitter-appended) ---
"""Pipeline reference for scband-gptembeddings-76355928588617 (READ-ONLY COPY).

The authoritative reference and input builder live on the scoring server;
editing this copy changes nothing except your own understanding.
"""

import jax, jax.numpy as jnp
import numpy as np

VOCAB = 1000000
HIDDEN = 64
MAX_POS = 512
B = 1024
L = 200

def setup_inputs(seed: int = 0) -> dict:
    key = jax.random.key(seed)
    k_ids, k_tok, k_pos = jax.random.split(key, 3)
    input_ids = jax.random.randint(k_ids, (B, L), 0, VOCAB, dtype=jnp.int64 if jax.config.jax_enable_x64 else jnp.int32)
    token_table = jax.random.normal(k_tok, (VOCAB, HIDDEN), dtype=jnp.float32) * 0.02
    pos_table = jax.random.normal(k_pos, (MAX_POS, HIDDEN), dtype=jnp.float32) * 0.02
    return {"input_ids": input_ids, "token_table": token_table, "pos_table": pos_table}

def reference(input_ids, token_table, pos_table):
    seq_len = input_ids.shape[1]
    position_ids = jnp.arange(seq_len)[None, :]  # [1, L]
    tok_emb = jnp.take(token_table, input_ids, axis=0)       # [B, L, H]
    pos_emb = jnp.take(pos_table, position_ids, axis=0)      # [1, L, H]
    embeddings = tok_emb + pos_emb
    # dropout is identity in eval mode
    return embeddings

if __name__ == "__main__":
    import jax
    _d = setup_inputs()
    print(jax.jit(kernel)(*tuple(_d.values())))

</pallas_src>

<mosaic_0001>
#map = affine_map<(d0, d1) -> (0, 0)>
#map1 = affine_map<(d0, d1) -> (0, 0, 0)>
module attributes {stable_mosaic.version = 14 : i64} {
  func.func @_emb_body(%arg0: i32, %arg1: i32, %arg2: memref<3200x64xi32, #tpu.memory_space<hbm>>, %arg3: memref<1000000x64xf32, #tpu.memory_space<hbm>>, %arg4: memref<512x64xf32, #tpu.memory_space<hbm>>, %arg5: memref<3200x64x128xf32, #tpu.memory_space<hbm>>, %arg6: memref<100x64xi32, #tpu.memory_space<vmem>>, %arg7: memref<400x64xf32, #tpu.memory_space<vmem_shared>>, %arg8: memref<2x64x64xf32, #tpu.memory_space<vmem>>, %arg9: memref<2x64x128xf32, #tpu.memory_space<vmem>>, %arg10: memref<!tpu.dma_semaphore, #tpu.memory_space<semaphore_mem>>, %arg11: memref<!tpu.dma_semaphore, #tpu.memory_space<semaphore_mem>>) attributes {dimension_semantics = [#tpu.dimension_semantics<core_parallel>, #tpu.dimension_semantics<subcore_parallel>], iteration_bounds = array<i64: 2, 16>, scalar_prefetch = 0 : i64, scratch_operands = 6 : i64, tpu.core_type = #tpu.core_type<sc_vector_subcore>, window_params = [{transform_indices = #map}, {transform_indices = #map}, {transform_indices = #map}, {transform_indices = #map1}]} {
    %mul3A = arith.constant 2 : i32
    %mul3A_0 = arith.muli %arg1, %mul3A : i32
    %add3A = arith.addi %mul3A_0, %arg0 : i32
    %mul3A_1 = arith.constant 100 : i32
    %mul3A_2 = arith.muli %add3A, %mul3A_1 : i32
    "tpu.region"() ({
      %run_scoped3A_61 = tpu.sem_alloc : memref<!tpu.dma_semaphore, #tpu.memory_space<semaphore_mem>>
      %dma_start3A_62 = arith.constant 0 : i32
      %dma_start3A_63 = tpu.memref_slice %arg2[%mul3A_2, %dma_start3A_62] : memref<3200x64xi32, #tpu.memory_space<hbm>> -> memref<100x64xi32, #tpu.memory_space<hbm>>
      %dma_start3A_64 = arith.constant 0 : i32
      %dma_start3A_65 = tpu.memref_slice %arg2[%mul3A_2, %dma_start3A_64] : memref<3200x64xi32, #tpu.memory_space<hbm>> -> memref<100x64xi32, #tpu.memory_space<hbm>>
      tpu.enqueue_dma source(%dma_start3A_65 : memref<100x64xi32, #tpu.memory_space<hbm>>) target(%arg6 : memref<100x64xi32, #tpu.memory_space<vmem>>) target_semaphore(%run_scoped3A_61 : memref<!tpu.dma_semaphore, #tpu.memory_space<semaphore_mem>>)
      %dma_wait3A_66 = arith.constant 0 : i32
      %dma_wait3A_67 = tpu.memref_slice %arg2[%mul3A_2, %dma_wait3A_66] : memref<3200x64xi32, #tpu.memory_space<hbm>> -> memref<100x64xi32, #tpu.memory_space<hbm>>
      %dma_wait3A_68 = arith.constant 0 : i32
      %dma_wait3A_69 = tpu.memref_slice %arg2[%mul3A_2, %dma_wait3A_68] : memref<3200x64xi32, #tpu.memory_space<hbm>> -> memref<100x64xi32, #tpu.memory_space<hbm>>
      tpu.wait_dma2 semaphore(%run_scoped3A_61 : memref<!tpu.dma_semaphore, #tpu.memory_space<semaphore_mem>>) src(%dma_wait3A_69 : memref<100x64xi32, #tpu.memory_space<hbm>>) dst(%arg6 : memref<100x64xi32, #tpu.memory_space<vmem>>)
      tpu.yield
    }) : () -> ()
    %eq3A = arith.constant 0 : i32
    %eq3A_3 = arith.cmpi eq, %arg1, %eq3A : i32
    %convert_element_type3A = arith.extui %eq3A_3 : i1 to i32
    %cond3A = arith.constant 0 : i32
    %cond3A_4 = arith.cmpi ne, %convert_element_type3A, %cond3A : i32
    scf.if %cond3A_4 {
      "tpu.region"() ({
        %run_scoped3A_61 = tpu.sem_alloc : memref<!tpu.dma_semaphore, #tpu.memory_space<semaphore_mem>>
        %dma_start3A_62 = arith.constant 0 : i32
        %dma_start3A_63 = arith.constant 0 : i32
        %dma_start3A_64 = tpu.memref_slice %arg7[%dma_start3A_62, %dma_start3A_63] : memref<400x64xf32, #tpu.memory_space<vmem_shared>> -> memref<200x64xf32, #tpu.memory_space<vmem_shared>>
        %dma_start3A_65 = arith.constant 0 : i32
        %dma_start3A_66 = arith.constant 0 : i32
        %dma_start3A_67 = tpu.memref_slice %arg4[%dma_start3A_65, %dma_start3A_66] : memref<512x64xf32, #tpu.memory_space<hbm>> -> memref<200x64xf32, #tpu.memory_space<hbm>>
        tpu.enqueue_dma source(%dma_start3A_67 : memref<200x64xf32, #tpu.memory_space<hbm>>) target(%dma_start3A_64 : memref<200x64xf32, #tpu.memory_space<vmem_shared>>) target_semaphore(%run_scoped3A_61 : memref<!tpu.dma_semaphore, #tpu.memory_space<semaphore_mem>>)
        %dma_wait3A_68 = arith.constant 0 : i32
        %dma_wait3A_69 = arith.constant 0 : i32
        %dma_wait3A_70 = tpu.memref_slice %arg7[%dma_wait3A_68, %dma_wait3A_69] : memref<400x64xf32, #tpu.memory_space<vmem_shared>> -> memref<200x64xf32, #tpu.memory_space<vmem_shared>>
        %dma_wait3A_71 = arith.constant 0 : i32
        %dma_wait3A_72 = arith.constant 0 : i32
        %dma_wait3A_73 = tpu.memref_slice %arg4[%dma_wait3A_71, %dma_wait3A_72] : memref<512x64xf32, #tpu.memory_space<hbm>> -> memref<200x64xf32, #tpu.memory_space<hbm>>
        tpu.wait_dma2 semaphore(%run_scoped3A_61 : memref<!tpu.dma_semaphore, #tpu.memory_space<semaphore_mem>>) src(%dma_wait3A_73 : memref<200x64xf32, #tpu.memory_space<hbm>>) dst(%dma_wait3A_70 : memref<200x64xf32, #tpu.memory_space<vmem_shared>>)
        tpu.yield
      }) : () -> ()
      "tpu.region"() ({
        %run_scoped3A_61 = tpu.sem_alloc : memref<!tpu.dma_semaphore, #tpu.memory_space<semaphore_mem>>
        %dma_start3A_62 = arith.constant 200 : i32
        %dma_start3A_63 = arith.constant 0 : i32
        %dma_start3A_64 = tpu.memref_slice %arg7[%dma_start3A_62, %dma_start3A_63] : memref<400x64xf32, #tpu.memory_space<vmem_shared>> -> memref<200x64xf32, #tpu.memory_space<vmem_shared>>
        %dma_start3A_65 = arith.constant 0 : i32
        %dma_start3A_66 = arith.constant 0 : i32
        %dma_start3A_67 = tpu.memref_slice %arg4[%dma_start3A_65, %dma_start3A_66] : memref<512x64xf32, #tpu.memory_space<hbm>> -> memref<200x64xf32, #tpu.memory_space<hbm>>
        tpu.enqueue_dma source(%dma_start3A_67 : memref<200x64xf32, #tpu.memory_space<hbm>>) target(%dma_start3A_64 : memref<200x64xf32, #tpu.memory_space<vmem_shared>>) target_semaphore(%run_scoped3A_61 : memref<!tpu.dma_semaphore, #tpu.memory_space<semaphore_mem>>)
        %dma_wait3A_68 = arith.constant 200 : i32
        %dma_wait3A_69 = arith.constant 0 : i32
        %dma_wait3A_70 = tpu.memref_slice %arg7[%dma_wait3A_68, %dma_wait3A_69] : memref<400x64xf32, #tpu.memory_space<vmem_shared>> -> memref<200x64xf32, #tpu.memory_space<vmem_shared>>
        %dma_wait3A_71 = arith.constant 0 : i32
        %dma_wait3A_72 = arith.constant 0 : i32
        %dma_wait3A_73 = tpu.memref_slice %arg4[%dma_wait3A_71, %dma_wait3A_72] : memref<512x64xf32, #tpu.memory_space<hbm>> -> memref<200x64xf32, #tpu.memory_space<hbm>>
        tpu.wait_dma2 semaphore(%run_scoped3A_61 : memref<!tpu.dma_semaphore, #tpu.memory_space<semaphore_mem>>) src(%dma_wait3A_73 : memref<200x64xf32, #tpu.memory_space<hbm>>) dst(%dma_wait3A_70 : memref<200x64xf32, #tpu.memory_space<vmem_shared>>)
        tpu.yield
      }) : () -> ()
    } else {
    }
    %barrier3A = arith.constant 0 : index
    tpu.barrier barrier_id(%barrier3A)
    %run_scoped3A = arith.constant 0 : i32
    "tpu.region"() ({
      %run_scoped3A_61 = tpu.sem_alloc : memref<!tpu.dma_semaphore, #tpu.memory_space<semaphore_mem>>
      %dma_start3A_62 = arith.constant 0 : i32
      %dma_start3A_63 = arith.constant 0 : i32
      %dma_start3A_64 = tpu.memref_slice %arg8[%run_scoped3A, %dma_start3A_62, %dma_start3A_63] : memref<2x64x64xf32, #tpu.memory_space<vmem>> -> memref<1x64x64xf32, #tpu.memory_space<vmem>>
      %dma_start3A_65 = tpu.memref_squeeze %dma_start3A_64 : memref<1x64x64xf32, #tpu.memory_space<vmem>> -> memref<64x64xf32, #tpu.memory_space<vmem>>
      %dma_start3A_66 = arith.constant 0 : i32
      %dma_start3A_67 = arith.constant 0 : i32
      %dma_start3A_68 = tpu.memref_slice %arg7[%dma_start3A_66, %dma_start3A_67] : memref<400x64xf32, #tpu.memory_space<vmem_shared>> -> memref<64x64xf32, #tpu.memory_space<vmem_shared>>
      %dma_start3A_69 = arith.constant 0 : i32
      %dma_start3A_70 = arith.constant 0 : i32
      %dma_start3A_71 = tpu.memref_slice %arg8[%run_scoped3A, %dma_start3A_69, %dma_start3A_70] : memref<2x64x64xf32, #tpu.memory_space<vmem>> -> memref<1x64x64xf32, #tpu.memory_space<vmem>>
      %dma_start3A_72 = tpu.memref_squeeze %dma_start3A_71 : memref<1x64x64xf32, #tpu.memory_space<vmem>> -> memref<64x64xf32, #tpu.memory_space<vmem>>
      %dma_start3A_73 = arith.constant 0 : i32
      %dma_start3A_74 = arith.constant 0 : i32
      %dma_start3A_75 = tpu.memref_slice %arg7[%dma_start3A_73, %dma_start3A_74] : memref<400x64xf32, #tpu.memory_space<vmem_shared>> -> memref<64x64xf32, #tpu.memory_space<vmem_shared>>
      tpu.enqueue_dma source(%dma_start3A_75 : memref<64x64xf32, #tpu.memory_space<vmem_shared>>) target(%dma_start3A_72 : memref<64x64xf32, #tpu.memory_space<vmem>>) target_semaphore(%run_scoped3A_61 : memref<!tpu.dma_semaphore, #tpu.memory_space<semaphore_mem>>)
      %dma_wait3A_76 = arith.constant 0 : i32
      %dma_wait3A_77 = arith.constant 0 : i32
      %dma_wait3A_78 = tpu.memref_slice %arg8[%run_scoped3A, %dma_wait3A_76, %dma_wait3A_77] : memref<2x64x64xf32, #tpu.memory_space<vmem>> -> memref<1x64x64xf32, #tpu.memory_space<vmem>>
      %dma_wait3A_79 = tpu.memref_squeeze %dma_wait3A_78 : memref<1x64x64xf32, #tpu.memory_space<vmem>> -> memref<64x64xf32, #tpu.memory_space<vmem>>
      %dma_wait3A_80 = arith.constant 0 : i32
      %dma_wait3A_81 = arith.constant 0 : i32
      %dma_wait3A_82 = tpu.memref_slice %arg7[%dma_wait3A_80, %dma_wait3A_81] : memref<400x64xf32, #tpu.memory_space<vmem_shared>> -> memref<64x64xf32, #tpu.memory_space<vmem_shared>>
      %dma_wait3A_83 = arith.constant 0 : i32
      %dma_wait3A_84 = arith.constant 0 : i32
      %dma_wait3A_85 = tpu.memref_slice %arg8[%run_scoped3A, %dma_wait3A_83, %dma_wait3A_84] : memref<2x64x64xf32, #tpu.memory_space<vmem>> -> memref<1x64x64xf32, #tpu.memory_space<vmem>>
      %dma_wait3A_86 = tpu.memref_squeeze %dma_wait3A_85 : memref<1x64x64xf32, #tpu.memory_space<vmem>> -> memref<64x64xf32, #tpu.memory_space<vmem>>
      %dma_wait3A_87 = arith.constant 0 : i32
      %dma_wait3A_88 = arith.constant 0 : i32
      %dma_wait3A_89 = tpu.memref_slice %arg7[%dma_wait3A_87, %dma_wait3A_88] : memref<400x64xf32, #tpu.memory_space<vmem_shared>> -> memref<64x64xf32, #tpu.memory_space<vmem_shared>>
      tpu.wait_dma2 semaphore(%run_scoped3A_61 : memref<!tpu.dma_semaphore, #tpu.memory_space<semaphore_mem>>) src(%dma_wait3A_89 : memref<64x64xf32, #tpu.memory_space<vmem_shared>>) dst(%dma_wait3A_86 : memref<64x64xf32, #tpu.memory_space<vmem>>)
      tpu.yield
    }) : () -> ()
    %dma_start3A = arith.constant 0 : i32
    %dma_start3A_5 = arith.constant 0 : i32
    %dma_start3A_6 = arith.constant 0 : i32
    %dma_start3A_7 = arith.constant 0 : i32
    %dma_start3A_8 = tpu.memref_slice %arg8[%dma_start3A_5, %dma_start3A_6, %dma_start3A_7] : memref<2x64x64xf32, #tpu.memory_space<vmem>> -> memref<1x64x64xf32, #tpu.memory_space<vmem>>
    %dma_start3A_9 = tpu.memref_squeeze %dma_start3A_8 : memref<1x64x64xf32, #tpu.memory_space<vmem>> -> memref<64x64xf32, #tpu.memory_space<vmem>>
    %dma_start3A_10 = arith.constant 0 : i32
    %dma_start3A_11 = tpu.memref_slice %arg6[%dma_start3A, %dma_start3A_10] : memref<100x64xi32, #tpu.memory_space<vmem>> -> memref<1x64xi32, #tpu.memory_space<vmem>>
    %dma_start3A_12 = tpu.memref_squeeze %dma_start3A_11 : memref<1x64xi32, #tpu.memory_space<vmem>> -> memref<64xi32, #tpu.memory_space<vmem>>
    %dma_start3A_13 = arith.constant 0 : i32
    %dma_start3A_14 = arith.constant 0 : i32
    %dma_start3A_15 = tpu.memref_slice %arg3[%dma_start3A_13, %dma_start3A_14] : memref<1000000x64xf32, #tpu.memory_space<hbm>> -> memref<1000000x64xf32, #tpu.memory_space<hbm>>
    tpu.enqueue_indirect_dma source(%dma_start3A_15 : memref<1000000x64xf32, #tpu.memory_space<hbm>>) target(%dma_start3A_9 : memref<64x64xf32, #tpu.memory_space<vmem>>) offsets(%dma_start3A_12 : memref<64xi32, #tpu.memory_space<vmem>>) semaphore(%arg10 : memref<!tpu.dma_semaphore, #tpu.memory_space<semaphore_mem>>) {add = true}
    %scan3A = arith.constant 0 : i32
    %scan3A_16 = arith.constant 0 : i32
    %scan3A_17 = arith.constant 100 : i32
    %scan3A_18 = arith.addi %scan3A_16, %scan3A_17 : i32
    %scan3A_19 = arith.constant 1 : i32
    scf.for %scan3A_61 = %scan3A_16 to %scan3A_18 step %scan3A_19  : i32 {
      %jit3A = arith.constant 2 : i32
      %eq3A_62 = arith.constant 0 : i32
      %eq3A_63 = arith.cmpi eq, %jit3A, %eq3A_62 : i32
      %jit3A_64 = arith.constant 1 : i32
      %select_n3A = arith.select %eq3A_63, %jit3A_64, %jit3A : i32
      %rem3A = arith.remsi %scan3A_61, %select_n3A : i32
      %ne3A = arith.constant 0 : i32
      %ne3A_65 = arith.cmpi ne, %rem3A, %ne3A : i32
      %lt3A = arith.constant 0 : i32
      %lt3A_66 = arith.cmpi slt, %rem3A, %lt3A : i32
      %lt3A_67 = arith.constant 0 : i32
      %lt3A_68 = arith.cmpi slt, %select_n3A, %lt3A_67 : i32
      %ne3A_69 = arith.xori %lt3A_66, %lt3A_68 : i1
      %and3A = arith.andi %ne3A_69, %ne3A_65 : i1
      %add3A_70 = arith.addi %rem3A, %select_n3A : i32
      %select_n3A_71 = arith.select %and3A, %add3A_70, %rem3A : i32
      %ge3A = arith.constant 2 : i32
      %ge3A_72 = arith.cmpi sge, %scan3A_61, %ge3A : i32
      %convert_element_type3A_73 = arith.extui %ge3A_72 : i1 to i32
      %cond3A_74 = arith.constant 0 : i32
      %cond3A_75 = arith.cmpi ne, %convert_element_type3A_73, %cond3A_74 : i32
      scf.if %cond3A_75 {
        %add3A_116 = arith.addi %mul3A_2, %scan3A_61 : i32
        %sub3A_117 = arith.constant 2 : i32
        %sub3A_118 = arith.subi %add3A_116, %sub3A_117 : i32
        %dma_wait3A_119 = arith.constant 0 : i32
        %dma_wait3A_120 = arith.constant 0 : i32
        %dma_wait3A_121 = tpu.memref_slice %arg9[%select_n3A_71, %dma_wait3A_119, %dma_wait3A_120] : memref<2x64x128xf32, #tpu.memory_space<vmem>> -> memref<1x64x128xf32, #tpu.memory_space<vmem>>
        %dma_wait3A_122 = tpu.memref_squeeze %dma_wait3A_121 : memref<1x64x128xf32, #tpu.memory_space<vmem>> -> memref<64x128xf32, #tpu.memory_space<vmem>>
        %dma_wait3A_123 = arith.constant 0 : i32
        %dma_wait3A_124 = arith.constant 0 : i32
        %dma_wait3A_125 = tpu.memref_slice %arg5[%sub3A_118, %dma_wait3A_123, %dma_wait3A_124] : memref<3200x64x128xf32, #tpu.memory_space<hbm>> -> memref<1x64x128xf32, #tpu.memory_space<hbm>>
        %dma_wait3A_126 = tpu.memref_squeeze %dma_wait3A_125 : memref<1x64x128xf32, #tpu.memory_space<hbm>> -> memref<64x128xf32, #tpu.memory_space<hbm>>
        %dma_wait3A_127 = arith.constant 0 : i32
        %dma_wait3A_128 = arith.constant 0 : i32
        %dma_wait3A_129 = tpu.memref_slice %arg5[%sub3A_118, %dma_wait3A_127, %dma_wait3A_128] : memref<3200x64x128xf32, #tpu.memory_space<hbm>> -> memref<1x64x128xf32, #tpu.memory_space<hbm>>
        %dma_wait3A_130 = tpu.memref_squeeze %dma_wait3A_129 : memref<1x64x128xf32, #tpu.memory_space<hbm>> -> memref<64x128xf32, #tpu.memory_space<hbm>>
        %dma_wait3A_131 = arith.constant 0 : i32
        %dma_wait3A_132 = arith.constant 0 : i32
        %dma_wait3A_133 = tpu.memref_slice %arg9[%select_n3A_71, %dma_wait3A_131, %dma_wait3A_132] : memref<2x64x128xf32, #tpu.memory_space<vmem>> -> memref<1x64x128xf32, #tpu.memory_space<vmem>>
        %dma_wait3A_134 = tpu.memref_squeeze %dma_wait3A_133 : memref<1x64x128xf32, #tpu.memory_space<vmem>> -> memref<64x128xf32, #tpu.memory_space<vmem>>
        tpu.wait_dma2 semaphore(%arg11 : memref<!tpu.dma_semaphore, #tpu.memory_space<semaphore_mem>>) src(%dma_wait3A_134 : memref<64x128xf32, #tpu.memory_space<vmem>>) dst(%dma_wait3A_130 : memref<64x128xf32, #tpu.memory_space<hbm>>)
      } else {
      }
      %add3A_76 = arith.constant 1 : i32
      %add3A_77 = arith.addi %scan3A_61, %add3A_76 : i32
      %lt3A_78 = arith.constant 100 : i32
      %lt3A_79 = arith.cmpi slt, %add3A_77, %lt3A_78 : i32
      %convert_element_type3A_80 = arith.extui %lt3A_79 : i1 to i32
      %cond3A_81 = arith.constant 0 : i32
      %cond3A_82 = arith.cmpi ne, %convert_element_type3A_80, %cond3A_81 : i32
      scf.if %cond3A_82 {
        %add3A_116 = arith.constant 1 : i32
        %add3A_117 = arith.addi %scan3A_61, %add3A_116 : i32
        %sub3A_118 = arith.constant 1 : i32
        %sub3A_119 = arith.subi %sub3A_118, %select_n3A_71 : i32
        %mul3A_120 = arith.constant 64 : i32
        %mul3A_121 = arith.muli %add3A_117, %mul3A_120 : i32
        %jit3A_122 = arith.constant 200 : i32
        %eq3A_123 = arith.constant 0 : i32
        %eq3A_124 = arith.cmpi eq, %jit3A_122, %eq3A_123 : i32
        %jit3A_125 = arith.constant 1 : i32
        %select_n3A_126 = arith.select %eq3A_124, %jit3A_125, %jit3A_122 : i32
        %rem3A_127 = arith.remsi %mul3A_121, %select_n3A_126 : i32
        %ne3A_128 = arith.constant 0 : i32
        %ne3A_129 = arith.cmpi ne, %rem3A_127, %ne3A_128 : i32
        %lt3A_130 = arith.constant 0 : i32
        %lt3A_131 = arith.cmpi slt, %rem3A_127, %lt3A_130 : i32
        %lt3A_132 = arith.constant 0 : i32
        %lt3A_133 = arith.cmpi slt, %select_n3A_126, %lt3A_132 : i32
        %ne3A_134 = arith.xori %lt3A_131, %lt3A_133 : i1
        %and3A_135 = arith.andi %ne3A_134, %ne3A_129 : i1
        %add3A_136 = arith.addi %rem3A_127, %select_n3A_126 : i32
        %select_n3A_137 = arith.select %and3A_135, %add3A_136, %rem3A_127 : i32
        "tpu.region"() ({
          %run_scoped3A_148 = tpu.sem_alloc : memref<!tpu.dma_semaphore, #tpu.memory_space<semaphore_mem>>
          %dma_start3A_149 = arith.constant 0 : i32
          %dma_start3A_150 = arith.constant 0 : i32
          %dma_start3A_151 = tpu.memref_slice %arg8[%sub3A_119, %dma_start3A_149, %dma_start3A_150] : memref<2x64x64xf32, #tpu.memory_space<vmem>> -> memref<1x64x64xf32, #tpu.memory_space<vmem>>
          %dma_start3A_152 = tpu.memref_squeeze %dma_start3A_151 : memref<1x64x64xf32, #tpu.memory_space<vmem>> -> memref<64x64xf32, #tpu.memory_space<vmem>>
          %dma_start3A_153 = arith.constant 0 : i32
          %dma_start3A_154 = tpu.memref_slice %arg7[%select_n3A_137, %dma_start3A_153] : memref<400x64xf32, #tpu.memory_space<vmem_shared>> -> memref<64x64xf32, #tpu.memory_space<vmem_shared>>
          %dma_start3A_155 = arith.constant 0 : i32
          %dma_start3A_156 = arith.constant 0 : i32
          %dma_start3A_157 = tpu.memref_slice %arg8[%sub3A_119, %dma_start3A_155, %dma_start3A_156] : memref<2x64x64xf32, #tpu.memory_space<vmem>> -> memref<1x64x64xf32, #tpu.memory_space<vmem>>
          %dma_start3A_158 = tpu.memref_squeeze %dma_start3A_157 : memref<1x64x64xf32, #tpu.memory_space<vmem>> -> memref<64x64xf32, #tpu.memory_space<vmem>>
          %dma_start3A_159 = arith.constant 0 : i32
          %dma_start3A_160 = tpu.memref_slice %arg7[%select_n3A_137, %dma_start3A_159] : memref<400x64xf32, #tpu.memory_space<vmem_shared>> -> memref<64x64xf32, #tpu.memory_space<vmem_shared>>
          tpu.enqueue_dma source(%dma_start3A_160 : memref<64x64xf32, #tpu.memory_space<vmem_shared>>) target(%dma_start3A_158 : memref<64x64xf32, #tpu.memory_space<vmem>>) target_semaphore(%run_scoped3A_148 : memref<!tpu.dma_semaphore, #tpu.memory_space<semaphore_mem>>)
          %dma_wait3A_161 = arith.constant 0 : i32
          %dma_wait3A_162 = arith.constant 0 : i32
          %dma_wait3A_163 = tpu.memref_slice %arg8[%sub3A_119, %dma_wait3A_161, %dma_wait3A_162] : memref<2x64x64xf32, #tpu.memory_space<vmem>> -> memref<1x64x64xf32, #tpu.memory_space<vmem>>
          %dma_wait3A_164 = tpu.memref_squeeze %dma_wait3A_163 : memref<1x64x64xf32, #tpu.memory_space<vmem>> -> memref<64x64xf32, #tpu.memory_space<vmem>>
          %dma_wait3A_165 = arith.constant 0 : i32
          %dma_wait3A_166 = tpu.memref_slice %arg7[%select_n3A_137, %dma_wait3A_165] : memref<400x64xf32, #tpu.memory_space<vmem_shared>> -> memref<64x64xf32, #tpu.memory_space<vmem_shared>>
          %dma_wait3A_167 = arith.constant 0 : i32
          %dma_wait3A_168 = arith.constant 0 : i32
          %dma_wait3A_169 = tpu.memref_slice %arg8[%sub3A_119, %dma_wait3A_167, %dma_wait3A_168] : memref<2x64x64xf32, #tpu.memory_space<vmem>> -> memref<1x64x64xf32, #tpu.memory_space<vmem>>
          %dma_wait3A_170 = tpu.memref_squeeze %dma_wait3A_169 : memref<1x64x64xf32, #tpu.memory_space<vmem>> -> memref<64x64xf32, #tpu.memory_space<vmem>>
          %dma_wait3A_171 = arith.constant 0 : i32
          %dma_wait3A_172 = tpu.memref_slice %arg7[%select_n3A_137, %dma_wait3A_171] : memref<400x64xf32, #tpu.memory_space<vmem_shared>> -> memref<64x64xf32, #tpu.memory_space<vmem_shared>>
          tpu.wait_dma2 semaphore(%run_scoped3A_148 : memref<!tpu.dma_semaphore, #tpu.memory_space<semaphore_mem>>) src(%dma_wait3A_172 : memref<64x64xf32, #tpu.memory_space<vmem_shared>>) dst(%dma_wait3A_170 : memref<64x64xf32, #tpu.memory_space<vmem>>)
          tpu.yield
        }) : () -> ()
        %dma_start3A_138 = arith.constant 0 : i32
        %dma_start3A_139 = arith.constant 0 : i32
        %dma_start3A_140 = tpu.memref_slice %arg8[%sub3A_119, %dma_start3A_138, %dma_start3A_139] : memref<2x64x64xf32, #tpu.memory_space<vmem>> -> memref<1x64x64xf32, #tpu.memory_space<vmem>>
        %dma_start3A_141 = tpu.memref_squeeze %dma_start3A_140 : memref<1x64x64xf32, #tpu.memory_space<vmem>> -> memref<64x64xf32, #tpu.memory_space<vmem>>
        %dma_start3A_142 = arith.constant 0 : i32
        %dma_start3A_143 = tpu.memref_slice %arg6[%add3A_117, %dma_start3A_142] : memref<100x64xi32, #tpu.memory_space<vmem>> -> memref<1x64xi32, #tpu.memory_space<vmem>>
        %dma_start3A_144 = tpu.memref_squeeze %dma_start3A_143 : memref<1x64xi32, #tpu.memory_space<vmem>> -> memref<64xi32, #tpu.memory_space<vmem>>
        %dma_start3A_145 = arith.constant 0 : i32
        %dma_start3A_146 = arith.constant 0 : i32
        %dma_start3A_147 = tpu.memref_slice %arg3[%dma_start3A_145, %dma_start3A_146] : memref<1000000x64xf32, #tpu.memory_space<hbm>> -> memref<1000000x64xf32, #tpu.memory_space<hbm>>
        tpu.enqueue_indirect_dma source(%dma_start3A_147 : memref<1000000x64xf32, #tpu.memory_space<hbm>>) target(%dma_start3A_141 : memref<64x64xf32, #tpu.memory_space<vmem>>) offsets(%dma_start3A_144 : memref<64xi32, #tpu.memory_space<vmem>>) semaphore(%arg10 : memref<!tpu.dma_semaphore, #tpu.memory_space<semaphore_mem>>) {add = true}
      } else {
      }
      %dma_wait3A_83 = arith.constant 0 : i32
      %dma_wait3A_84 = arith.constant 0 : i32
      %dma_wait3A_85 = tpu.memref_slice %arg8[%select_n3A_71, %dma_wait3A_83, %dma_wait3A_84] : memref<2x64x64xf32, #tpu.memory_space<vmem>> -> memref<1x64x64xf32, #tpu.memory_space<vmem>>
      %dma_wait3A_86 = tpu.memref_squeeze %dma_wait3A_85 : memref<1x64x64xf32, #tpu.memory_space<vmem>> -> memref<64x64xf32, #tpu.memory_space<vmem>>
      %dma_wait3A_87 = arith.constant 0 : i32
      %dma_wait3A_88 = tpu.memref_slice %arg6[%scan3A_61, %dma_wait3A_87] : memref<100x64xi32, #tpu.memory_space<vmem>> -> memref<1x64xi32, #tpu.memory_space<vmem>>
      %dma_wait3A_89 = tpu.memref_squeeze %dma_wait3A_88 : memref<1x64xi32, #tpu.memory_space<vmem>> -> memref<64xi32, #tpu.memory_space<vmem>>
      %dma_wait3A_90 = arith.constant 0 : i32
      %dma_wait3A_91 = arith.constant 0 : i32
      %dma_wait3A_92 = tpu.memref_slice %arg3[%dma_wait3A_90, %dma_wait3A_91] : memref<1000000x64xf32, #tpu.memory_space<hbm>> -> memref<1000000x64xf32, #tpu.memory_space<hbm>>
      tpu.wait_indirect_dma semaphore(%arg10 : memref<!tpu.dma_semaphore, #tpu.memory_space<semaphore_mem>>) src(%dma_wait3A_92 : memref<1000000x64xf32, #tpu.memory_space<hbm>>) dst(%dma_wait3A_86 : memref<64x64xf32, #tpu.memory_space<vmem>>)
      %scan3A_93 = arith.constant 0 : i32
      %scan3A_94 = arith.constant 0 : i32
      %scan3A_95 = arith.constant 64 : i32
      %scan3A_96 = arith.addi %scan3A_94, %scan3A_95 : i32
      %scan3A_97 = arith.constant 1 : i32
      scf.for %scan3A_116 = %scan3A_94 to %scan3A_96 step %scan3A_97  : i32 {
        %get3A = arith.index_cast %select_n3A_71 : i32 to index
        %get3A_117 = arith.index_cast %scan3A_116 : i32 to index
        %get3A_118 = arith.constant 0 : index
        %get3A_119 = tpu.vector_load %arg8[%get3A, %get3A_117, %get3A_118] {strides = array<i32>} : memref<2x64x64xf32, #tpu.memory_space<vmem>>, vector<1x1x16xf32>,
        %get3A_120 = vector.shape_cast %get3A_119 : vector<1x1x16xf32> to vector<16xf32>
        %swap3A = arith.index_cast %select_n3A_71 : i32 to index
        %swap3A_121 = arith.index_cast %scan3A_116 : i32 to index
        %swap3A_122 = arith.constant 0 : index
        %swap3A_123 = tpu.vector_load %arg9[%swap3A, %swap3A_121, %swap3A_122] {strides = array<i32>} : memref<2x64x128xf32, #tpu.memory_space<vmem>>, vector<1x1x16xf32>,
        %swap3A_124 = vector.shape_cast %swap3A_123 : vector<1x1x16xf32> to vector<16xf32>
        %swap3A_125 = vector.shape_cast %get3A_120 : vector<16xf32> to vector<1x1x16xf32>
        tpu.vector_store %arg9[%swap3A, %swap3A_121, %swap3A_122], %swap3A_125 {strides = array<i32>} : memref<2x64x128xf32, #tpu.memory_space<vmem>>, vector<1x1x16xf32>,
        %get3A_126 = arith.index_cast %select_n3A_71 : i32 to index
        %get3A_127 = arith.index_cast %scan3A_116 : i32 to index
        %get3A_128 = arith.constant 16 : index
        %get3A_129 = tpu.vector_load %arg8[%get3A_126, %get3A_127, %get3A_128] {strides = array<i32>} : memref<2x64x64xf32, #tpu.memory_space<vmem>>, vector<1x1x16xf32>,
        %get3A_130 = vector.shape_cast %get3A_129 : vector<1x1x16xf32> to vector<16xf32>
        %swap3A_131 = arith.index_cast %select_n3A_71 : i32 to index
        %swap3A_132 = arith.index_cast %scan3A_116 : i32 to index
        %swap3A_133 = arith.constant 16 : index
        %swap3A_134 = tpu.vector_load %arg9[%swap3A_131, %swap3A_132, %swap3A_133] {strides = array<i32>} : memref<2x64x128xf32, #tpu.memory_space<vmem>>, vector<1x1x16xf32>,
        %swap3A_135 = vector.shape_cast %swap3A_134 : vector<1x1x16xf32> to vector<16xf32>
        %swap3A_136 = vector.shape_cast %get3A_130 : vector<16xf32> to vector<1x1x16xf32>
        tpu.vector_store %arg9[%swap3A_131, %swap3A_132, %swap3A_133], %swap3A_136 {strides = array<i32>} : memref<2x64x128xf32, #tpu.memory_space<vmem>>, vector<1x1x16xf32>,
        %get3A_137 = arith.index_cast %select_n3A_71 : i32 to index
        %get3A_138 = arith.index_cast %scan3A_116 : i32 to index
        %get3A_139 = arith.constant 32 : index
        %get3A_140 = tpu.vector_load %arg8[%get3A_137, %get3A_138, %get3A_139] {strides = array<i32>} : memref<2x64x64xf32, #tpu.memory_space<vmem>>, vector<1x1x16xf32>,
        %get3A_141 = vector.shape_cast %get3A_140 : vector<1x1x16xf32> to vector<16xf32>
        %swap3A_142 = arith.index_cast %select_n3A_71 : i32 to index
        %swap3A_143 = arith.index_cast %scan3A_116 : i32 to index
        %swap3A_144 = arith.constant 32 : index
        %swap3A_145 = tpu.vector_load %arg9[%swap3A_142, %swap3A_143, %swap3A_144] {strides = array<i32>} : memref<2x64x128xf32, #tpu.memory_space<vmem>>, vector<1x1x16xf32>,
        %swap3A_146 = vector.shape_cast %swap3A_145 : vector<1x1x16xf32> to vector<16xf32>
        %swap3A_147 = vector.shape_cast %get3A_141 : vector<16xf32> to vector<1x1x16xf32>
        tpu.vector_store %arg9[%swap3A_142, %swap3A_143, %swap3A_144], %swap3A_147 {strides = array<i32>} : memref<2x64x128xf32, #tpu.memory_space<vmem>>, vector<1x1x16xf32>,
        %get3A_148 = arith.index_cast %select_n3A_71 : i32 to index
        %get3A_149 = arith.index_cast %scan3A_116 : i32 to index
        %get3A_150 = arith.constant 48 : index
        %get3A_151 = tpu.vector_load %arg8[%get3A_148, %get3A_149, %get3A_150] {strides = array<i32>} : memref<2x64x64xf32, #tpu.memory_space<vmem>>, vector<1x1x16xf32>,
        %get3A_152 = vector.shape_cast %get3A_151 : vector<1x1x16xf32> to vector<16xf32>
        %swap3A_153 = arith.index_cast %select_n3A_71 : i32 to index
        %swap3A_154 = arith.index_cast %scan3A_116 : i32 to index
        %swap3A_155 = arith.constant 48 : index
        %swap3A_156 = tpu.vector_load %arg9[%swap3A_153, %swap3A_154, %swap3A_155] {strides = array<i32>} : memref<2x64x128xf32, #tpu.memory_space<vmem>>, vector<1x1x16xf32>,
        %swap3A_157 = vector.shape_cast %swap3A_156 : vector<1x1x16xf32> to vector<16xf32>
        %swap3A_158 = vector.shape_cast %get3A_152 : vector<16xf32> to vector<1x1x16xf32>
        tpu.vector_store %arg9[%swap3A_153, %swap3A_154, %swap3A_155], %swap3A_158 {strides = array<i32>} : memref<2x64x128xf32, #tpu.memory_space<vmem>>, vector<1x1x16xf32>,
      }
      %scan3A_98 = arith.constant 64 : i32
      %add3A_99 = arith.addi %mul3A_2, %scan3A_61 : i32
      %dma_start3A_100 = arith.constant 0 : i32
      %dma_start3A_101 = arith.constant 0 : i32
      %dma_start3A_102 = tpu.memref_slice %arg9[%select_n3A_71, %dma_start3A_100, %dma_start3A_101] : memref<2x64x128xf32, #tpu.memory_space<vmem>> -> memref<1x64x128xf32, #tpu.memory_space<vmem>>
      %dma_start3A_103 = tpu.memref_squeeze %dma_start3A_102 : memref<1x64x128xf32, #tpu.memory_space<vmem>> -> memref<64x128xf32, #tpu.memory_space<vmem>>
      %dma_start3A_104 = arith.constant 0 : i32
      %dma_start3A_105 = arith.constant 0 : i32
      %dma_start3A_106 = tpu.memref_slice %arg5[%add3A_99, %dma_start3A_104, %dma_start3A_105] : memref<3200x64x128xf32, #tpu.memory_space<hbm>> -> memref<1x64x128xf32, #tpu.memory_space<hbm>>
      %dma_start3A_107 = tpu.memref_squeeze %dma_start3A_106 : memref<1x64x128xf32, #tpu.memory_space<hbm>> -> memref<64x128xf32, #tpu.memory_space<hbm>>
      %dma_start3A_108 = arith.constant 0 : i32
      %dma_start3A_109 = arith.constant 0 : i32
      %dma_start3A_110 = tpu.memref_slice %arg5[%add3A_99, %dma_start3A_108, %dma_start3A_109] : memref<3200x64x128xf32, #tpu.memory_space<hbm>> -> memref<1x64x128xf32, #tpu.memory_space<hbm>>
      %dma_start3A_111 = tpu.memref_squeeze %dma_start3A_110 : memref<1x64x128xf32, #tpu.memory_space<hbm>> -> memref<64x128xf32, #tpu.memory_space<hbm>>
      %dma_start3A_112 = arith.constant 0 : i32
      %dma_start3A_113 = arith.constant 0 : i32
      %dma_start3A_114 = tpu.memref_slice %arg9[%select_n3A_71, %dma_start3A_112, %dma_start3A_113] : memref<2x64x128xf32, #tpu.memory_space<vmem>> -> memref<1x64x128xf32, #tpu.memory_space<vmem>>
      %dma_start3A_115 = tpu.memref_squeeze %dma_start3A_114 : memref<1x64x128xf32, #tpu.memory_space<vmem>> -> memref<64x128xf32, #tpu.memory_space<vmem>>
      tpu.enqueue_dma source(%dma_start3A_115 : memref<64x128xf32, #tpu.memory_space<vmem>>) target(%dma_start3A_111 : memref<64x128xf32, #tpu.memory_space<hbm>>) target_semaphore(%arg11 : memref<!tpu.dma_semaphore, #tpu.memory_space<semaphore_mem>>)
    }
    %scan3A_20 = arith.constant 100 : i32
    %add3A_21 = arith.constant 100 : i32
    %add3A_22 = arith.addi %mul3A_2, %add3A_21 : i32
    %sub3A = arith.constant 2 : i32
    %sub3A_23 = arith.subi %add3A_22, %sub3A : i32
    %dma_wait3A = arith.constant 0 : i32
    %dma_wait3A_24 = arith.constant 0 : i32
    %dma_wait3A_25 = arith.constant 0 : i32
    %dma_wait3A_26 = tpu.memref_slice %arg9[%dma_wait3A, %dma_wait3A_24, %dma_wait3A_25] : memref<2x64x128xf32, #tpu.memory_space<vmem>> -> memref<1x64x128xf32, #tpu.memory_space<vmem>>
    %dma_wait3A_27 = tpu.memref_squeeze %dma_wait3A_26 : memref<1x64x128xf32, #tpu.memory_space<vmem>> -> memref<64x128xf32, #tpu.memory_space<vmem>>
    %dma_wait3A_28 = arith.constant 0 : i32
    %dma_wait3A_29 = arith.constant 0 : i32
    %dma_wait3A_30 = tpu.memref_slice %arg5[%sub3A_23, %dma_wait3A_28, %dma_wait3A_29] : memref<3200x64x128xf32, #tpu.memory_space<hbm>> -> memref<1x64x128xf32, #tpu.memory_space<hbm>>
    %dma_wait3A_31 = tpu.memref_squeeze %dma_wait3A_30 : memref<1x64x128xf32, #tpu.memory_space<hbm>> -> memref<64x128xf32, #tpu.memory_space<hbm>>
    %dma_wait3A_32 = arith.constant 0 : i32
    %dma_wait3A_33 = arith.constant 0 : i32
    %dma_wait3A_34 = tpu.memref_slice %arg5[%sub3A_23, %dma_wait3A_32, %dma_wait3A_33] : memref<3200x64x128xf32, #tpu.memory_space<hbm>> -> memref<1x64x128xf32, #tpu.memory_space<hbm>>
    %dma_wait3A_35 = tpu.memref_squeeze %dma_wait3A_34 : memref<1x64x128xf32, #tpu.memory_space<hbm>> -> memref<64x128xf32, #tpu.memory_space<hbm>>
    %dma_wait3A_36 = arith.constant 0 : i32
    %dma_wait3A_37 = arith.constant 0 : i32
    %dma_wait3A_38 = tpu.memref_slice %arg9[%dma_wait3A, %dma_wait3A_36, %dma_wait3A_37] : memref<2x64x128xf32, #tpu.memory_space<vmem>> -> memref<1x64x128xf32, #tpu.memory_space<vmem>>
    %dma_wait3A_39 = tpu.memref_squeeze %dma_wait3A_38 : memref<1x64x128xf32, #tpu.memory_space<vmem>> -> memref<64x128xf32, #tpu.memory_space<vmem>>
    tpu.wait_dma2 semaphore(%arg11 : memref<!tpu.dma_semaphore, #tpu.memory_space<semaphore_mem>>) src(%dma_wait3A_39 : memref<64x128xf32, #tpu.memory_space<vmem>>) dst(%dma_wait3A_35 : memref<64x128xf32, #tpu.memory_space<hbm>>)
    %add3A_40 = arith.constant 100 : i32
    %add3A_41 = arith.addi %mul3A_2, %add3A_40 : i32
    %sub3A_42 = arith.constant 1 : i32
    %sub3A_43 = arith.subi %add3A_41, %sub3A_42 : i32
    %dma_wait3A_44 = arith.constant 1 : i32
    %dma_wait3A_45 = arith.constant 0 : i32
    %dma_wait3A_46 = arith.constant 0 : i32
    %dma_wait3A_47 = tpu.memref_slice %arg9[%dma_wait3A_44, %dma_wait3A_45, %dma_wait3A_46] : memref<2x64x128xf32, #tpu.memory_space<vmem>> -> memref<1x64x128xf32, #tpu.memory_space<vmem>>
    %dma_wait3A_48 = tpu.memref_squeeze %dma_wait3A_47 : memref<1x64x128xf32, #tpu.memory_space<vmem>> -> memref<64x128xf32, #tpu.memory_space<vmem>>
    %dma_wait3A_49 = arith.constant 0 : i32
    %dma_wait3A_50 = arith.constant 0 : i32
    %dma_wait3A_51 = tpu.memref_slice %arg5[%sub3A_43, %dma_wait3A_49, %dma_wait3A_50] : memref<3200x64x128xf32, #tpu.memory_space<hbm>> -> memref<1x64x128xf32, #tpu.memory_space<hbm>>
    %dma_wait3A_52 = tpu.memref_squeeze %dma_wait3A_51 : memref<1x64x128xf32, #tpu.memory_space<hbm>> -> memref<64x128xf32, #tpu.memory_space<hbm>>
    %dma_wait3A_53 = arith.constant 0 : i32
    %dma_wait3A_54 = arith.constant 0 : i32
    %dma_wait3A_55 = tpu.memref_slice %arg5[%sub3A_43, %dma_wait3A_53, %dma_wait3A_54] : memref<3200x64x128xf32, #tpu.memory_space<hbm>> -> memref<1x64x128xf32, #tpu.memory_space<hbm>>
    %dma_wait3A_56 = tpu.memref_squeeze %dma_wait3A_55 : memref<1x64x128xf32, #tpu.memory_space<hbm>> -> memref<64x128xf32, #tpu.memory_space<hbm>>
    %dma_wait3A_57 = arith.constant 0 : i32
    %dma_wait3A_58 = arith.constant 0 : i32
    %dma_wait3A_59 = tpu.memref_slice %arg9[%dma_wait3A_44, %dma_wait3A_57, %dma_wait3A_58] : memref<2x64x128xf32, #tpu.memory_space<vmem>> -> memref<1x64x128xf32, #tpu.memory_space<vmem>>
    %dma_wait3A_60 = tpu.memref_squeeze %dma_wait3A_59 : memref<1x64x128xf32, #tpu.memory_space<vmem>> -> memref<64x128xf32, #tpu.memory_space<vmem>>
    tpu.wait_dma2 semaphore(%arg11 : memref<!tpu.dma_semaphore, #tpu.memory_space<semaphore_mem>>) src(%dma_wait3A_60 : memref<64x128xf32, #tpu.memory_space<vmem>>) dst(%dma_wait3A_56 : memref<64x128xf32, #tpu.memory_space<hbm>>)
    return
  }
}

</mosaic_0001>

<sc_bundles>
// kernel: kernel.3.cloned.1.call-start
scs
__scs_entry_jumppad:
0x0: {  	(pc) =	sbr.rel $0x88, $3  }
0x1: {  	(tag) =	ssettag $0x0;
	lr =	simm.s32 $0x1  }
0x2: {  	[smem:$0x3F9E] =	sst lr;
	_ =	strace $0xD0000000  }
0x3: {  	_ = 	snop  }
0x4: {  	_ = 	snop  }
0x5: {  	_ = 	snop  }
0x6: {  	_ = 	snop  }
0x7: {  	_ = 	snop  }
__scs_overlays_trampoline_lowered:
0x8: {  	[smem:$0x3FAD] =	sst s0  }
0x9: {  	[smem:$0x3FAE] =	sst s1  }
0xa: {  	[smem:$0x3FAF] =	sst s2  }
0xb: {  	[smem:$0x3FB0] =	sst s3  }
0xc: {  	[smem:$0x3FB1] =	sst s4  }
0xd: {  	[smem:$0x3FB2] =	sst s5  }
0xe: {  	[smem:$0x3FB3] =	sst s6  }
0xf: {  	[smem:$0x3FB4] =	sst s7  }
0x10: {  	[smem:$0x3FB5] =	sst s8  }
0x11: {  	[smem:$0x3FB6] =	sst s9;
	s0 =	simm.s32 @!p0 $0x0  }
0x12: {  	s1 =	sld [smem:$0x3F9C];
	s0 =	simm.s32 @p0 $0x1  }
0x13: {  	[smem:$0x3FB7] =	sst s0;
	s0 =	simm.s32 @!p1 $0x0  }
0x14: {  	s2 =	sld [smem:$0x3F9B];
	s0 =	simm.s32 @p1 $0x1  }
0x15: {  	[smem:$0x3FB8] =	sst s0;
	s0 =	simm.s32 @!p2 $0x0  }
0x16: {  	s3 =	sld [smem:$0x3FDB];
	s0 =	simm.s32 @p2 $0x1  }
0x17: {  	s4 =	simm.s32 $0x1BF5;
	[smem:$0x3FBA] =	sst s0  }
0x18: {  	s0 =	sld [smem:$0x3F9D];
	_ =	swait.ge [sflag:s4], $0x0  }
0x19: {  	s7 =	sld [smem:$0x3F9E]  }
0x1a: {  	s8 =	sadd.s32 $0xFFFFE003, lr  }
0x1b: {  	s9 =	sadd.s32 $0xFFFFFEF7, lr;
	s5 =	simm.s32 $0xFFFFFFFF;
	p2 =	slt.u32 s8, $0xFFFFF086  }
0x1c: {  	p1 =	slt.u32 s9, $0xF7A;
	s5 =	simm.s32 @!p2 $0x0  }
0x1d: {  	s5 =	simm.s32 @p1 $0x1;
	p0 =	seq.s32 s7, s2  }
0x1e: {  	s7 =	smul.u32 @!p0 $0xF7A, s2;
	p2 =	seq.s32 @!p0 s5, $0x0  }
0x1f: {  	s9 =	smul.u32 $0xF7A, s1;
	s8 =	simm.s32 @!p0 $0x1BF5;
	p2 =	por !p2, p0  }
0x20: {  	[sflag:s8] =	ssyncset.s32 @!p0 $0xFFFFF086;
	s6 =	sadd.s32 @!p0 s3, s7;
	s7 =	simm.s32 @!p0 $0x108  }
0x21: {  	s3 =	sadd.s32 s3, s9;
	s6 =	sadd.s32 @!p0 $0x88, s6;
	s7 =	simm.s32 @p2 $0x1082  }
0x22: {  	[simem:s7], [sflag:s8] =	dma.local @!p0 [hbm:s6], $0xF7A  }
0x23: {  	s9 =	sor.u32 $0xD0000000, s2;
	s6 =	simm.s32 $0x108;
	_ =	swait.ge @!p0 [sflag:s8], $0x0  }
0x24: {  	s3 =	sadd.s32 $0x88, s3;
	s6 =	simm.s32 @!p1 $0x1082;
	[sflag:s4] =	ssyncset.s32 $0xFFFFF086  }
0x25: {  	[simem:s6], [sflag:s4] =	dma.local [hbm:s3], $0xF7A  }
0x26: {  	[smem:$0x3F9E] =	sst s1;
	(tag) =	ssettag s2;
	_ =	strace s9  }
0x27: {  	s1 =	sld [smem:$0x3FAE]  }
0x28: {  	s2 =	sld [smem:$0x3FAF]  }
0x29: {  	s4 =	sld [smem:$0x3FB1]  }
0x2a: {  	p0 =	seq.s32 s5, $0x0;
	s5 =	sld [smem:$0x3FB2]  }
0x2b: {  	s6 =	sld [smem:$0x3FB3]  }
0x2c: {  	s7 =	sld [smem:$0x3FB4]  }
0x2d: {  	s3 =	simm.s32 $0x108;
	s8 =	sld [smem:$0x3FB5]  }
0x2e: {  	s3 =	simm.s32 @!p0 $0x1082;
	s9 =	sld [smem:$0x3FB6]  }
0x2f: {  	lr =	sadd.s32 s0, s3;
	s0 =	sld [smem:$0x3FAD]  }
0x30: {  	s3 =	sld [smem:$0x3FB0]  }
0x31: {  	[smem:$0x3FB9] =	sst s10  }
0x32: {  	s10 =	sld [smem:$0x3FB7];
	_ =	sdelay $0x3  }
0x33: {  	p0 =	seq.s32 s10, $0x1;
	s10 =	sld [smem:$0x3FB9];
	_ =	sdelay $0x3  }
0x34: {  	[smem:$0x3FB9] =	sst s10  }
0x35: {  	s10 =	sld [smem:$0x3FB8];
	_ =	sdelay $0x3  }
0x36: {  	p1 =	seq.s32 s10, $0x1;
	s10 =	sld [smem:$0x3FB9];
	_ =	sdelay $0x3  }
0x37: {  	[smem:$0x3FB9] =	sst s10  }
0x38: {  	s10 =	sld [smem:$0x3FBA]  }
0x39: {  	_ = 	snop;
	(pc) =	sbr.ind lr, $3  }
0x3a: {  	_ = 	snop  }
0x3b: {  	_ = 	snop  }
0x3c: {  	p2 =	seq.s32 s10, $0x1;
	s10 =	sld [smem:$0x3FB9]  }
0x3d: {  	_ =	shalt  }
0x3e: {  	_ =	shalt  }
0x3f: {  	_ =	shalt  }
0x40: {  	_ =	shalt  }
0x41: {  	_ =	shalt  }
0x42: {  	_ =	shalt  }
0x43: {  	_ =	shalt  }
0x44: {  	_ =	shalt  }
0x45: {  	_ =	shalt  }
0x46: {  	_ =	shalt  }
0x47: {  	_ =	shalt  }
0x48: {  	_ =	shalt  }
0x49: {  	_ =	shalt  }
0x4a: {  	_ =	shalt  }
0x4b: {  	_ =	shalt  }
0x4c: {  	_ =	shalt  }
0x4d: {  	_ =	shalt  }
0x4e: {  	_ =	shalt  }
0x4f: {  	_ =	shalt  }
0x50: {  	_ =	shalt  }
0x51: {  	_ =	shalt  }
0x52: {  	_ =	shalt  }
0x53: {  	_ =	shalt  }
0x54: {  	_ =	shalt  }
0x55: {  	_ =	shalt  }
0x56: {  	_ =	shalt  }
0x57: {  	_ =	shalt  }
0x58: {  	_ =	shalt  }
0x59: {  	_ =	shalt  }
0x5a: {  	_ =	shalt  }
0x5b: {  	_ =	shalt  }
0x5c: {  	_ =	shalt  }
0x5d: {  	_ =	shalt  }
0x5e: {  	_ =	shalt  }
0x5f: {  	_ =	shalt  }
0x60: {  	_ =	shalt  }
0x61: {  	_ =	shalt  }
0x62: {  	_ =	shalt  }
0x63: {  	_ =	shalt  }
0x64: {  	_ =	shalt  }
0x65: {  	_ =	shalt  }
0x66: {  	_ =	shalt  }
0x67: {  	_ =	shalt  }
0x68: {  	_ =	shalt  }
0x69: {  	_ =	shalt  }
0x6a: {  	_ =	shalt  }
0x6b: {  	_ =	shalt  }
0x6c: {  	_ =	shalt  }
0x6d: {  	_ =	shalt  }
0x6e: {  	_ =	shalt  }
0x6f: {  	_ =	shalt  }
0x70: {  	_ =	shalt  }
0x71: {  	_ =	shalt  }
0x72: {  	_ =	shalt  }
0x73: {  	_ =	shalt  }
0x74: {  	_ =	shalt  }
0x75: {  	_ =	shalt  }
0x76: {  	_ =	shalt  }
0x77: {  	_ =	shalt  }
0x78: {  	_ =	shalt  }
0x79: {  	_ =	shalt  }
0x7a: {  	_ =	shalt  }
0x7b: {  	_ =	shalt  }
0x7c: {  	_ =	shalt  }
0x7d: {  	_ =	shalt  }
0x7e: {  	_ =	shalt  }
0x7f: {  	_ =	shalt  }
0x80: {  	_ =	shalt  }
0x81: {  	_ =	shalt  }
0x82: {  	_ =	shalt  }
0x83: {  	_ =	shalt  }
0x84: {  	_ =	shalt  }
0x85: {  	_ =	shalt  }
0x86: {  	_ =	shalt  }
0x87: {  	_ =	shalt  }
.Lfunc_end0:
.L_simem_size_0:
called_computation.1_lowered:
.L_overlay_start_0:
0x88: {  	s2 =	sld [smem:$0x3FD9]  }
0x89: {  	s3 =	sld [smem:$0x3FFE];
	_ =	sdelay $0x1  }
0x8a: {  	s1 =	srdreg.scid  }
0x8b: {  	s0 =	sand.u32 $0x1, s1  }
0x8c: {  	s17 =	sshll.u32 s0, $0xA;
	s2 =	sadd.s32 s3, s2  }
0x8d: {  	s2 =	sadd.s32 s2, s17  }
0x8e: {  	[smem:$0x3FC5] =	sst s2  }
0x8f: {  	_ = 	snop  }
0x90: {  	s2 =	sld [smem:$0x3FD0];
	(tm) =	ssettm $0x1  }
0x91: {  	s18 =	sld [smem:$0x3FFB];
	_ =	sdelay $0x3  }
0x92: {  	_ =	strace s18  }
0x93: {  	s3 =	sld [smem:$0x3FFC];
	_ =	sdelay $0x3  }
0x94: {  	_ =	strace s3  }
0x95: {  	s3 =	sld [smem:$0x3FFD];
	_ =	sdelay $0x3  }
0x96: {  	_ =	strace s3  }
0x97: {  	_ =	strace $0x8FFFFFFF  }
0x98: {  	s19 =	sld [smem:$0x3FDB];
	_ =	sdelay $0x1  }
0x99: {  	s4 =	simm.s32 $_scs_section_size  }
0x9a: {  	s5 =	simm.s32 $_size__tile_overlayer_lowered;
	s6 =	simm.s32 $_tile_overlayer_lowered  }
0x9b: {  	s22 =	simm.s32 $0x1BFF;
	s21 =	sshll.u32 s6, $0x1;
	s3 =	sadd.s32 s4, s19  }
0x9c: {  	s7 =	simm.s32 $0x0;
	s20 =	sshll.u32 s5, $0x1;
	s5 =	sadd.s32 s21, s3  }
0x9d: {  	[timem:s7], [sflag:s22] =	dma.local [hbm:s5], s20  }
0x9e: {  	_ =	swait.ge [sflag:s22], s20  }
0x9f: {  	s4 =	ssub.s32 $0x0, s20;
	[sflag:s22] =	ssyncset.done $0x0  }
0xa0: {  	[sflag:s22] =	ssyncadd.s32 s4;
	_ =	sdelay $0x1  }
0xa1: {  	s23 =	simm.s32 $0x1B8B  }
0xa2: {  	_ =	swait.ge [sflag:s23], $0x1  }
0xa3: {  	[sflag:s23] =	ssyncset.done $0x0  }
0xa4: {  	s25 =	simm.s32 $0x1B8E;
	s24 =	sld [smem:$0x3FFE];
	[sflag:s23] =	ssyncadd.s32 $0xFFFFFFFF  }
0xa5: {  	s26 =	simm.s32 $execute0_lowered;
	[smem:$0x3FD2] =	sst s25  }
0xa6: {  	s5 =	sshll.u32 s26, $0x1;
	_ =	strace $0x80000046;
	[dreg:$0x1] =	wrdreg $0xFFFFFFFF  }
0xa7: {  	s28 =	simm.s32 $_size_execute0_lowered;
	s3 =	sadd.s32 s3, s5;
	[dreg:$0x0] =	wrdreg $0x0  }
0xa8: {  	s5 =	sshll.u32 s28, $0x1;
	[dreg:$0x2] =	wrdreg s3  }
0xa9: {  	[dreg:$0x3] =	wrdreg s5  }
0xaa: {  	[dreg:$0x4] =	wrdreg $0xC0  }
0xab: {  	_ =	task [dreg:s7], $0x5FFFF  }
0xac: {  	[dreg:$0x1] =	wrdreg $0xFFFFFFFF  }
0xad: {  	[dreg:$0x0] =	wrdreg $0x60  }
0xae: {  	[dreg:$0x2] =	wrdreg s2  }
0xaf: {  	[dreg:$0x3] =	wrdreg s24  }
0xb0: {  	[dreg:$0x4] =	wrdreg $0x19000  }
0xb1: {  	[dreg:$0x5] =	wrdreg $0x9  }
0xb2: {  	_ =	task.clear_ibuf [dreg:s7], $0x6FFFF;
	_ =	strace $0x90000046  }
0xb3: {  	s29 =	simm.s32 $0x9;
	_ =	strace $0x80000048  }
0xb4: {  	_ =	swait.ge [sflag:s29], $0x1  }
0xb5: {  	[sflag:s29] =	ssyncadd.s32 $0xFFFFFFFF  }
0xb6: {  	_ =	strace $0x90000048  }
0xb7: {  	_ =	sfence  }
0xb8: {  	s30 =	sld [smem:$0x0];
	_ =	sdelay $0x2  }
0xb9: {  	s31 =	sshll.u32 s1, $0xD;
	s1 =	sshrl.u32 s1, $0x2  }
0xba: {  	s3 =	sand.u32 $0x4000, s31;
	s1 =	sadd.s32 s1, s30  }
0xbb: {  	s0 =	sor.u32 s3, s0;
	s1 =	sshll.u32 s1, $0x11  }
0xbc: {  	s0 =	sor.u32 s1, s0  }
0xbd: {  	s0 =	sadd.s32 $0x8F2B, s0  }
0xbe: {  	[sflag:s0] =	ssyncadd.remote.s32 $0x1  }
0xbf: {  	_ =	sfence.sel $0xFFFF  }
0xc0: {  	[dreg:$0x0] =	wrdreg $0xFFFFFFFF;
	(pc) =	sbr.abs _section_cstart, $3  }
0xc1: {  	[dreg:$0x1] =	wrdreg $0xFFFFFFFF  }
0xc2: {  	_ =	task.clear_ibuf [dreg:s7], $0x2FFFF;
	_ =	strace $0x9FFFFFFF  }
0xc3: {  	(tm) =	ssettm $0x7FFFFFFF  }
tec
execute0_lowered:
.L_overlay_start_1:
0x0: {  	(tag) =	ssettag $0x1  }
0x1: {  	s7 =	rddreg [dreg:$0x0]  }
0x2: {  	s5 =	rddreg [dreg:$0x1]  }
0x3: {  	s1 =	rddreg [dreg:$0x2]  }
0x4: {  	s0 =	rddreg [dreg:$0x3];
	s2 =	simm.s32 $0x0  }
0x5: {  	s3 =	srdreg.scid;
	s8 =	stileid.u32;
	s12 =	simm.s32 $0x1F40  }
0x6: {  	s13 =	simm.s32 $0x40;
	s14 =	simm.s32 $0x1;
	s15 =	simm.s32 $0x2  }
0x7: {  	s16 =	simm.s32 $0x0;
	[smem:$0x7FF] =	sst s2;
	s4 =	sand.u32 $0x1, s3  }
0x8: {  	s6 =	sshll.u32 s8, $0x1;
	s3 =	sadd.s32 $0xF43000, s5;
	p0 =	sne.s32 s8, $0x0  }
0x9: {  	_ =	strace $0x80000047;
	s9 =	ssub.s32 $0x2, s4;
	s6 =	sor.u32 s4, s6  }
0xa: {  	s4 =	sadd.s32 $0xC00, s5;
	s10 =	sshrl.u32 s9, $0x1;
	s11 =	smul.u32 $0x320, s6  }
0xb: {  	s5 =	sadd.s32 $0x1C00, s5;
	s6 =	smul.u32 $0x64, s6;
	s9 =	ssub.s32 s9, s10  }
0xc: {  	s10 =	sshrl.u32 @!p0 s1, $0x3;
	s7 =	sadd.s32 s7, s11;
	s11 =	sadd.s32 $0x3200, s1  }
0xd: {  	s8 =	smax.u32 s9, $0x1;
	s9 =	simm.s32 $0x3;
	s11 =	sshrl.u32 @!p0 s11, $0x3  }
.LBB2_1:
0xe: {  	[tilespmem:s2], [sflag:$0x3] =	stream.linear.gather [hbm4b:s7+s2], $0x1900, $0x38;
	[tilespmem:$0x7F40] =	vst v63  }
0xf: {  	_ =	swait.ge [sflag:s9], $0x1900  }
0x10: {  	[sflag:s9] =	ssyncset.done $0x0  }
0x11: {  	s17 =	simm.s32 @!p0 $0x1C03;
	s18 =	simm.s32 @!p0 $0x3;
	[sflag:s9] =	ssyncadd.s32 $0xFFFFE700  }
0x12: {  	[spmem:s10], [sflag:s17] =	dma.local @!p0 [hbm:s4], $0x640  }
0x13: {  	_ =	swait.ge @!p0 [sflag:s18], $0x640  }
0x14: {  	[sflag:s18] =	ssyncset.done @!p0 $0x0  }
0x15: {  	[sflag:s18] =	ssyncadd.s32 @!p0 $0xFFFFF9C0  }
0x16: {  	[spmem:s11], [sflag:s17] =	dma.local @!p0 [hbm:s4], $0x640  }
0x17: {  	_ =	swait.ge @!p0 [sflag:s18], $0x640  }
0x18: {  	[sflag:s18] =	ssyncset.done @!p0 $0x0  }
0x19: {  	[sflag:s18] =	ssyncadd.s32 @!p0 $0xFFFFF9C0  }
0x1a: {  	[bflag:$0x0] =	sbarrier.arrive $0xFFFF  }
0x1b: {  	[tilespmem:s12], [sflag:$0x3] =	stream.linear.gather [spmem:s1], $0x1000, $0x38;
	[tilespmem:$0x7F40] =	vst v63  }
0x1c: {  	_ =	swait.ge [sflag:s9], $0x1000  }
0x1d: {  	[sflag:s9] =	ssyncset.done $0x0  }
0x1e: {  	s17 =	simm.s32 $0x0;
	[sflag:s9] =	ssyncadd.s32 $0xFFFFF000  }
0x1f: {  	[tilespmem:s12], [sflag:$0x1] =	stream.indirect.gather.add.f32 [hbm:s3], $0x40, s2, s13, $0xb8;
	[tilespmem:$0x7F40] =	vst v63  }
.LBB2_2:
0x20: {  	p1 =	slt.u32 s17, $0x2  }
0x21: {  	s18 =	simm.s32 @!p1 $0x2  }
0x22: {  	_ =	swait.ge @!p1 [sflag:s18], $0x2000  }
0x23: {  	p2 =	seq.s32 @!p1 s17, $0x63;
	[sflag:s18] =	ssyncset.done @!p1 $0x0  }
0x24: {  	p2 =	por p1, !p2;
	[sflag:s18] =	ssyncadd.s32 @!p1 $0xFFFFE000;
	s18 =	simm.s32 @!p1 $0x64  }
0x25: {  	s18 =	sadd.s32 @p2 $0x1, s17  }
0x26: {  	s20 =	sshll.u32 @p2 s18, $0x3  }
0x27: {  	s20 =	sand.u32 @p2 $0x1FF8, s20  }
0x28: {  	s20 =	smul.u32 @p2 $0x147B, s20;
	_ =	sdelay $0x1  }
0x29: {  	s20 =	sshrl.u32 @p2 s20, $0x11  }
0x2a: {  	s20 =	smul.u32 @p2 $0xC8, s20  }
0x2b: {  	s21 =	sshll.u32 @p2 s18, $0x6  }
0x2c: {  	s19 =	sand.u32 $0x1, s17;
	s20 =	ssub.s32 @p2 s21, s20  }
0x2d: {  	s22 =	sshll.u32 @p2 s19, $0xC;
	s20 =	sshll.u32 @p2 s20, $0x6  }
0x2e: {  	s22 =	sxor.u32 @p2 $0x1000, s22;
	s20 =	sand.u32 @p2 $0x3E00, s20  }
0x2f: {  	s22 =	sadd.s32 @p2 $0x1F40, s22;
	s20 =	sadd.s32 @p2 s20, s1  }
0x30: {  	[tilespmem:s22], [sflag:$0x3] =	stream.linear.gather @p2 [spmem:s20], $0x1000, $0x38;
	[tilespmem:$0x7F40] =	vst v63  }
0x31: {  	_ =	swait.ge @p2 [sflag:s9], $0x1000  }
0x32: {  	[sflag:s9] =	ssyncset.done @p2 $0x0  }
0x33: {  	[sflag:s9] =	ssyncadd.s32 @p2 $0xFFFFF000  }
0x34: {  	[tilespmem:s22], [sflag:$0x1] =	stream.indirect.gather.add.f32 @p2 [hbm:s3], $0x40, s21, s13, $0xb8;
	[tilespmem:$0x7F40] =	vst v63  }
0x35: {  	_ =	swait.ge [sflag:s14], $0x1000  }
0x36: {  	s30 =	sshll.u32 s19, $0xD;
	s19 =	sshll.u32 s19, $0xC;
	[sflag:s14] =	ssyncset.done $0x0  }
0x37: {  	s31 =	sadd.s32 $0x3F70, s30;
	s20 =	sadd.s32 $0x1F60, s19;
	[sflag:s14] =	ssyncadd.s32 $0xFFFFF000  }
0x38: {  	v0 =	vmov s31;
	s19 =	sadd.s32 $0x3F40, s30;
	s21 =	simm.s32 $0x0;
	s22 =	simm.s32 $0x200;
	v1 =	vld [tilespmem:s20+$0xFFFFFFE0]  }
.LBB2_3:
0x39: {  	p1 =	sne.s32 s22, $0x7E00;
	_ =	sdelay $0x2  }
0x3a: {  	s23 =	sshra.s32 s21, $0x2;
	s21 =	smov.u32 s22  }
0x3b: {  	[tilespmem:v0+s23+$0xFFFFFFD0 ss:$0x1] =	vst.idx.msk $0xffff, v1  }
0x3c: {  	v1 =	vld [tilespmem:s20+$0xFFFFFFF0];
	_ =	sdelay $0x4  }
0x3d: {  	[tilespmem:v0+s23+$0xFFFFFFE0 ss:$0x1] =	vst.idx.msk $0xffff, v1  }
0x3e: {  	v1 =	vld [tilespmem:s20+$0x0];
	_ =	sdelay $0x4  }
0x3f: {  	[tilespmem:v0+s23+$0xFFFFFFF0 ss:$0x1] =	vst.idx.msk $0xffff, v1  }
0x40: {  	v1 =	vld [tilespmem:s20+$0x10];
	_ =	sdelay $0x1  }
.Ltmp0:
0x41: {  	(pc) =	sbr.rel @p1 .LBB2_3-.Ltmp0, $3  }
0x42: {  	_ =	sdelay $0x1  }
0x43: {  	s20 =	sadd.s32 $0x40, s20;
	[tilespmem:v0+s23+$0x0 ss:$0x1] =	vst.idx.msk $0xffff, v1  }
0x44: {  	s22 =	sadd.s32 $0x200, s22;
	v1 =	vld [tilespmem:s20+$0xFFFFFFE0]  }
0x45: {  	_ =	sdelay $0x2  }
0x46: {  	s21 =	sshra.s32 s21, $0x2  }
0x47: {  	[tilespmem:v0+s21+$0xFFFFFFD0 ss:$0x1] =	vst.idx.msk $0xffff, v1  }
0x48: {  	v1 =	vld [tilespmem:s20+$0xFFFFFFF0];
	_ =	sdelay $0x4  }
0x49: {  	[tilespmem:v0+s21+$0xFFFFFFE0 ss:$0x1] =	vst.idx.msk $0xffff, v1  }
0x4a: {  	v1 =	vld [tilespmem:s20+$0x0];
	_ =	sdelay $0x4  }
0x4b: {  	[tilespmem:v0+s21+$0xFFFFFFF0 ss:$0x1] =	vst.idx.msk $0xffff, v1  }
0x4c: {  	v1 =	vld [tilespmem:s20+$0x10];
	_ =	sdelay $0x1  }
0x4d: {  	s17 =	sadd.s32 s6, s17;
	p1 =	slt.u32 s18, $0x64  }
.Ltmp1:
0x4e: {  	s17 =	sshll.u32 s17, $0xA;
	(pc) =	sbr.rel @p1 .LBB2_2-.Ltmp1, $4  }
0x4f: {  	s17 =	sand.u32 $0x1FFFFC00, s17  }
0x50: {  	s17 =	sadd.s32 s5, s17;
	[tilespmem:v0+s21+$0x0 ss:$0x1] =	vst.idx.msk $0xffff, v1  }
0x51: {  	[hbm4b:s17+s2] =	stream.linear.scatter [tilespmem:s19], [sflag:$0x2], $0x2000, $0x38;
	[tilespmem:$0x7F40] =	vst v63  }
0x52: {  	s17 =	smov.u32 s18  }
0x53: {  	s16 =	sadd.s32 $0x1, s16  }
0x54: {  	_ =	swait.ge [sflag:s15], $0x2000;
	p1 =	sne.s32 s16, s8  }
.Ltmp2:
0x55: {  	[sflag:s15] =	ssyncset.done $0x0;
	(pc) =	sbr.rel @p1 .LBB2_1-.Ltmp2, $4  }
0x56: {  	[sflag:s15] =	ssyncadd.s32 $0xFFFFE000  }
0x57: {  	_ =	swait.ge [sflag:s15], $0x2000  }
0x58: {  	[sflag:s15] =	ssyncset.done $0x0  }
0x59: {  	[sflag:s15] =	ssyncadd.s32 $0xFFFFE000  }
0x5a: {  	_ =	sfence.sel $0x180000  }
0x5b: {  	[bflag:$0x0] =	sbarrier.arrive $0xFFFF  }
0x5c: {  	_ =	strace $0x90000047  }
0x5d: {  	s0 =	sadd.s32 @!p0 $0x100000, s0;
	[bflag:$0x2] =	sbarrier.arrive $0xFFFF  }
0x5e: {  	[sflag:s0] =	ssyncadd.tile.s32 @!p0 $0x1;
	_ =	shalt  }
.Lfunc_end2:
_tile_overlayer_lowered:
.L_overlay_start_2:
0x5f: {  	(tag) =	ssettag $0x2  }
0x60: {  	s0 =	rddreg [dreg:$0x0];
	s2 =	stileid.u32  }
0x61: {  	s1 =	rddreg [dreg:$0x1];
	p0 =	sne.s32 s2, $0x0  }
0x62: {  	s3 =	rddreg [dreg:$0x2];
	[bflag:$0x3] =	sbarrier.arrive $0xFFFF;
	s2 =	simm.s32 @!p0 $0x1C03  }
0x63: {  	[timem:s3], [sflag:s2] =	dma.local @!p0 [hbm:s0], s1  }
0x64: {  	s0 =	simm.s32 @!p0 $0x3  }
0x65: {  	_ =	swait.ge @!p0 [sflag:s0], s1  }
0x66: {  	s1 =	ssub.s32 @!p0 $0x0, s1;
	[sflag:s0] =	ssyncset.done @!p0 $0x0  }
0x67: {  	[sflag:s0] =	ssyncadd.s32 @!p0 s1  }
0x68: {  	[bflag:$0x3] =	sbarrier.arrive $0xFFFF  }
0x69: {  	_ =	shalt  }

// kernel: sparse-core-data-format-call.cloned.1.call-start
scs
called_computation_lowered:
.L_overlay_start_0:
0x0: {  	s2 =	sld [smem:$0x3FD9]  }
0x1: {  	s3 =	sld [smem:$0x3FFE];
	_ =	sdelay $0x1  }
0x2: {  	s1 =	srdreg.scid  }
0x3: {  	s0 =	sand.u32 $0x1, s1  }
0x4: {  	s18 =	sshll.u32 s0, $0xA;
	s2 =	sadd.s32 s3, s2  }
0x5: {  	s2 =	sadd.s32 s2, s18  }
0x6: {  	[smem:$0x3FC5] =	sst s2  }
0x7: {  	_ = 	snop  }
0x8: {  	s2 =	sld [smem:$0x3FD0];
	(tm) =	ssettm $0x1  }
0x9: {  	s19 =	sld [smem:$0x3FFB];
	_ =	sdelay $0x3  }
0xa: {  	_ =	strace s19  }
0xb: {  	s3 =	sld [smem:$0x3FFC];
	_ =	sdelay $0x3  }
0xc: {  	_ =	strace s3  }
0xd: {  	s3 =	sld [smem:$0x3FFD];
	_ =	sdelay $0x3  }
0xe: {  	_ =	strace s3  }
0xf: {  	_ =	strace $0x8FFFFFFF  }
0x10: {  	s20 =	sld [smem:$0x3FDB];
	_ =	sdelay $0x1  }
0x11: {  	s4 =	simm.s32 $_scs_section_size  }
0x12: {  	s5 =	simm.s32 $_size__tile_overlayer_lowered;
	s6 =	simm.s32 $_tile_overlayer_lowered  }
0x13: {  	s23 =	simm.s32 $0x1BFF;
	s22 =	sshll.u32 s6, $0x1;
	s3 =	sadd.s32 s4, s20  }
0x14: {  	s7 =	simm.s32 $0x0;
	s21 =	sshll.u32 s5, $0x1;
	s5 =	sadd.s32 s22, s3  }
0x15: {  	[timem:s7], [sflag:s23] =	dma.local [hbm:s5], s21  }
0x16: {  	_ =	swait.ge [sflag:s23], s21  }
0x17: {  	s4 =	ssub.s32 $0x0, s21;
	[sflag:s23] =	ssyncset.done $0x0  }
0x18: {  	[sflag:s23] =	ssyncadd.s32 s4;
	_ =	sdelay $0x1  }
0x19: {  	s24 =	simm.s32 $0x1B8B  }
0x1a: {  	_ =	swait.ge [sflag:s24], $0x1  }
0x1b: {  	[sflag:s24] =	ssyncset.done $0x0  }
0x1c: {  	s26 =	simm.s32 $0x1B8E;
	s25 =	sld [smem:$0x3FFE];
	[sflag:s24] =	ssyncadd.s32 $0xFFFFFFFF  }
0x1d: {  	s27 =	simm.s32 $execute0_lowered;
	[smem:$0x3FD2] =	sst s26  }
0x1e: {  	s5 =	sshll.u32 s27, $0x1;
	_ =	strace $0x80000049;
	[dreg:$0x1] =	wrdreg $0xFFFFFFFF  }
0x1f: {  	s28 =	simm.s32 $_size_execute0_lowered;
	s3 =	sadd.s32 s3, s5;
	[dreg:$0x0] =	wrdreg $0x0  }
0x20: {  	s5 =	sshll.u32 s28, $0x1;
	[dreg:$0x2] =	wrdreg s3  }
0x21: {  	[dreg:$0x3] =	wrdreg s5  }
0x22: {  	[dreg:$0x4] =	wrdreg $0xC0  }
0x23: {  	_ =	task [dreg:s7], $0x5FFFF  }
0x24: {  	[dreg:$0x1] =	wrdreg $0xFFFFFFFF  }
0x25: {  	[dreg:$0x0] =	wrdreg $0x60  }
0x26: {  	[dreg:$0x2] =	wrdreg s25  }
0x27: {  	[dreg:$0x3] =	wrdreg s2  }
0x28: {  	[dreg:$0x4] =	wrdreg $0x9  }
0x29: {  	_ =	task.clear_ibuf [dreg:s7], $0x5FFFF;
	_ =	strace $0x90000049  }
0x2a: {  	s29 =	simm.s32 $0x9;
	_ =	strace $0x8000004B  }
0x2b: {  	_ =	swait.ge [sflag:s29], $0x1  }
0x2c: {  	[sflag:s29] =	ssyncadd.s32 $0xFFFFFFFF  }
0x2d: {  	_ =	strace $0x9000004B  }
0x2e: {  	_ =	sfence  }
0x2f: {  	s30 =	sld [smem:$0x0];
	_ =	sdelay $0x2  }
0x30: {  	s31 =	sshll.u32 s1, $0xD;
	s1 =	sshrl.u32 s1, $0x2  }
0x31: {  	s3 =	sand.u32 $0x4000, s31;
	s1 =	sadd.s32 s1, s30  }
0x32: {  	s0 =	sor.u32 s3, s0;
	s1 =	sshll.u32 s1, $0x11  }
0x33: {  	s0 =	sor.u32 s1, s0  }
0x34: {  	s0 =	sadd.s32 $0x8F2B, s0  }
0x35: {  	[sflag:s0] =	ssyncadd.remote.s32 $0x1  }
0x36: {  	_ =	sfence.sel $0xFFFF  }
0x37: {  	[dreg:$0x0] =	wrdreg $0xFFFFFFFF;
	(pc) =	sbr.abs _section_cstart, $3  }
0x38: {  	[dreg:$0x1] =	wrdreg $0xFFFFFFFF  }
0x39: {  	_ =	task.clear_ibuf [dreg:s7], $0x2FFFF;
	_ =	strace $0x9FFFFFFF  }
0x3a: {  	(tm) =	ssettm $0x7FFFFFFF  }
0x3b: {  	_ =	shalt  }
tec
execute0_lowered:
.L_overlay_start_1:
0x0: {  	(tag) =	ssettag $0x1  }
0x1: {  	s0 =	stileid.u32;
	s6 =	rddreg [dreg:$0x0]  }
0x2: {  	s2 =	rddreg [dreg:$0x1];
	s5 =	srdreg.scid  }
0x3: {  	s31 =	simm.s32 $0x2;
	s13 =	simm.s32 $0x0;
	s1 =	sshll.u32 s0, $0x7  }
0x4: {  	s14 =	simm.s32 $0x0;
	s12 =	simm.s32 $0x0;
	s3 =	sand.u32 $0x380, s1  }
0x5: {  	s5 =	sshll.u32 s5, $0x4;
	s6 =	sadd.s32 $0x1C00, s6;
	s4 =	ssub.s32 $0x400, s3  }
0x6: {  	s1 =	rddreg [dreg:$0x2];
	_ =	strace $0x8000004A;
	s7 =	sand.u32 $0x380, s4  }
0x7: {  	s5 =	sand.u32 $0x10, s5;
	p0 =	sne.s32 s7, $0x0;
	s7 =	simm.s32 $0x1  }
.Ltmp0:
0x8: {  	s8 =	sshrl.u32 s4, $0xA;
	s7 =	simm.s32 @!p0 $0x0;
	(pc) =	sbr.rel .LBB1_1-.Ltmp0, $4  }
0x9: {  	s9 =	sor.u32 s0, s5;
	s4 =	simm.s32 $0x1;
	s30 =	sadd.s32 s7, s8  }
0xa: {  	s11 =	smov.u32 s3;
	[sflag:s4] =	ssyncpa.u1 $0x0;
	s5 =	smul.u32 $0x32, s30  }
0xb: {  	[sflag:s31] =	ssyncpa.u1 $0x0;
	p0 =	por $0x0, $0x0;
	s7 =	sshrl.u32 s9, $0x3  }
0xc: {  	s9 =	simm.s32 $0x2000;
	s10 =	smov.u32 s7;
	s8 =	sor.u32 $0x1, s5  }
.LBB1_4:
0xd: {  	s17 =	sand.u32 $0x1F80, s14;
	s13 =	sshll.u32 s13, $0xD  }
0xe: {  	[tilespmem:s16+$0x810 ss:$0x81] =	vst.msk $0xffff, v2;
	s18 =	sshrl.u32 s14, $0x3;
	s31 =	sand.u32 $0x7, s14;
	s17 =	sadd.s32 s2, s17  }
0xf: {  	[tilespmem:s16+$0x1020 ss:$0x81] =	vst.msk $0xffff, v0;
	s18 =	sand.u32 $0xF, s18;
	s14 =	sshll.u32 s31, $0x12;
	s13 =	sadd.s32 s13, s17  }
0x10: {  	[tilespmem:s16+$0x0 ss:$0x81] =	vst.msk $0xffff, v1;
	s14 =	sor.u32 $0x400, s14;
	s13 =	sadd.s32 s18, s13  }
0x11: {  	[hbm4b:s13+s14] =	stream.strided.scatter [tilespmem:s15], [sflag:$0x2], $0x2000, s9, s14, $0x20;
	[tilespmem:$0x8080] =	vst v63  }
.LBB1_5:
0x12: {  	s15 =	sadd.s32 $0x4, s10  }
0x13: {  	s13 =	sadd.s32 $0x400, s11;
	s17 =	smov.u32 s11;
	p2 =	sgt.s32 s15, $0xC7  }
0x14: {  	s17 =	smov.u32 @p2 s13  }
0x15: {  	s15 =	smov.u32 @p2 s7;
	p2 =	sgt.s32 s17, $0x3FF  }
0x16: {  	s17 =	smov.u32 @p2 s3;
	p2 =	sne.s32 s12, s8  }
.Ltmp1:
0x17: {  	p1 =	slt.u32 s12, $0x2;
	(pc) =	sbr.rel @!p2 .LBB1_6-.Ltmp1, $4  }
0x18: {  	s16 =	simm.s32 @!p1 $0x2  }
0x19: {  	s14 =	smov.u32 s11;
	p0 =	por !p0, !p0;
	_ =	swait.ge @!p1 [sflag:s16], $0x2000  }
0x1a: {  	s13 =	smov.u32 s10;
	[sflag:s16] =	ssyncset.done @!p1 $0x0;
	s10 =	smov.u32 s15  }
0x1b: {  	s12 =	sadd.s32 $0x1, s12;
	[sflag:s16] =	ssyncadd.s32 @!p1 $0xFFFFE000;
	s11 =	smov.u32 s17  }
.LBB1_1:
0x1c: {  	p1 =	sge.u32 s12, s5  }
0x1d: {  	s15 =	sand.u32 @!p1 $0x1FFFFFF, s10  }
0x1e: {  	s16 =	smulhi.u32 @!p1 $0x147AE15, s15;
	_ =	sdelay $0x1  }
0x1f: {  	s16 =	smul.u32 @!p1 $0xC8, s16  }
0x20: {  	s17 =	sxor.u32 @!p1 $0xFFFFFFFF, s12;
	s18 =	smul.u32 @!p1 $0xC80, s11  }
0x21: {  	s31 =	sadd.s32 $0xFFFFFFFF, s12;
	s17 =	sshll.u32 @!p1 s17, $0xD;
	s15 =	ssub.s32 @!p1 s15, s16  }
0x22: {  	s16 =	sand.u32 @!p1 $0x2000, s17;
	s17 =	sadd.s32 @!p1 s6, s18;
	s15 =	sshll.u32 @!p1 s15, $0x4  }
0x23: {  	s18 =	simm.s32 @!p1 $0x6400;
	s15 =	sadd.s32 @!p1 s15, s17;
	s17 =	simm.s32 @!p1 $0x40  }
0x24: {  	[tilespmem:s16], [sflag:$0x1] =	stream.strided.gather @!p1 [hbm4b:s15+s17], $0x2000, s18, s17, $0x38;
	[tilespmem:$0x8080] =	vst v63  }
0x25: {  	p1 =	sge.u32 s31, s5  }
.Ltmp2:
0x26: {  	_ = 	snop;
	(pc) =	sbr.rel @p1 .LBB1_5-.Ltmp2, $1  }
0x27: {  	_ =	sdelay $0x3  }
0x28: {  	s15 =	simm.s32 $0x1  }
0x29: {  	_ =	swait.ge [sflag:s4], $0x2000;
	s15 =	simm.s32 @!p0 $0x0  }
0x2a: {  	[sflag:s4] =	ssyncset.done $0x0;
	s16 =	sshll.u32 s15, $0xD  }
0x2b: {  	[sflag:s4] =	ssyncadd.s32 $0xFFFFE000;
	s19 =	sor.u32 $0x20, s16  }
0x2c: {  	s15 =	smul.u32 $0x8100, s15;
	v3 =	vld [tilespmem:s19+$0x10]  }
0x2d: {  	s30 =	sand.u32 $0x1, s12;
	v2 =	vld [tilespmem:s19+$0xFFFFFFF0]  }
0x2e: {  	s16 =	smul.u32 $0x8100, s30;
	s15 =	sshrl.u32 s15, $0x2;
	v0 =	vld [tilespmem:s19+$0x0]  }
0x2f: {  	v1 =	vld [tilespmem:s19+$0xFFFFFFE0];
	s17 =	sor.u32 $0x4000, s15  }
0x30: {  	s31 =	sshrl.u32 s16, $0x2;
	s16 =	sadd.s32 $0x0, s17  }
0x31: {  	s18 =	simm.s32 $0x4;
	s19 =	sadd.s32 $0x40, s19;
	s15 =	sor.u32 $0x4000, s31;
	[tilespmem:s16+$0x1830 ss:$0x81] =	vst.msk $0xffff, v3  }
.LBB1_3:
0x32: {  	v3 =	vld [tilespmem:s19+$0x10];
	p1 =	sne.s32 s18, $0x1FC;
	[tilespmem:s16+$0x810 ss:$0x81] =	vst.msk $0xffff, v2;
	s20 =	smov.u32 s18;
	s18 =	sadd.s32 $0x4, s18  }
.Ltmp3:
0x33: {  	v2 =	vld [tilespmem:s19+$0xFFFFFFF0];
	[tilespmem:s16+$0x1020 ss:$0x81] =	vst.msk $0xffff, v0;
	(pc) =	sbr.rel @p1 .LBB1_3-.Ltmp3, $4  }
0x34: {  	v0 =	vld [tilespmem:s19+$0x0];
	[tilespmem:s16+$0x0 ss:$0x81] =	vst.msk $0xffff, v1  }
0x35: {  	s16 =	sshra.s32 s20, $0x2;
	v1 =	vld [tilespmem:s19+$0xFFFFFFE0]  }
0x36: {  	s16 =	sadd.s32 s16, s17  }
0x37: {  	s19 =	sadd.s32 $0x40, s19;
	[tilespmem:s16+$0x1830 ss:$0x81] =	vst.msk $0xffff, v3  }
.Ltmp4:
0x38: {  	_ = 	snop;
	(pc) =	sbr.rel .LBB1_4-.Ltmp4, $1  }
0x39: {  	_ =	sdelay $0x3  }
.LBB1_6:
0x3a: {  	_ =	sfence.sel $0x180000  }
0x3b: {  	s2 =	simm.s32 $0x1;
	[bflag:$0x0] =	sbarrier.arrive $0xFFFF  }
0x3c: {  	s31 =	simm.s32 $0x2;
	[sflag:s2] =	ssyncpa.u1 $0x1  }
0x3d: {  	[sflag:s31] =	ssyncpa.u1 $0x1  }
0x3e: {  	p0 =	sne.s32 s0, $0x0;
	_ =	strace $0x9000004A  }
0x3f: {  	s0 =	sadd.s32 @!p0 $0x100000, s1;
	[bflag:$0x2] =	sbarrier.arrive $0xFFFF  }
0x40: {  	[sflag:s0] =	ssyncadd.tile.s32 @!p0 $0x1;
	_ =	shalt  }
.Lfunc_end1:
_tile_overlayer_lowered:
.L_overlay_start_2:
0x41: {  	(tag) =	ssettag $0x2  }
0x42: {  	s0 =	rddreg [dreg:$0x0];
	s2 =	stileid.u32  }
0x43: {  	s1 =	rddreg [dreg:$0x1];
	p0 =	sne.s32 s2, $0x0  }
0x44: {  	s3 =	rddreg [dreg:$0x2];
	[bflag:$0x3] =	sbarrier.arrive $0xFFFF;
	s2 =	simm.s32 @!p0 $0x1C01  }
0x45: {  	[timem:s3], [sflag:s2] =	dma.local @!p0 [hbm:s0], s1  }
0x46: {  	s0 =	simm.s32 @!p0 $0x1  }
0x47: {  	_ =	swait.ge @!p0 [sflag:s0], s1  }
0x48: {  	s1 =	ssub.s32 @!p0 $0x0, s1;
	[sflag:s0] =	ssyncset.done @!p0 $0x0  }
0x49: {  	[sflag:s0] =	ssyncadd.s32 @!p0 s1  }
0x4a: {  	[bflag:$0x3] =	sbarrier.arrive $0xFFFF  }
0x4b: {  	_ =	shalt  }

</sc_bundles>
